<compile_context>
chip_gen: v7x
topology: tpu7x:2x2x1
jax: 0.10.2.dev20260603
libtpu: 0.0.44.dev20260713+nightly
codegen_flags: <defaults>
</compile_context>

<pallas_src>
import jax
import jax.numpy as jnp
from jax import lax
from jax.experimental import pallas as pl
from jax.experimental.pallas import tpu as pltpu
from jax.experimental.pallas import tpu_sc as plsc

B = 16
N = 16384
K = 2048
L = 16
NCHUNK = N // L


def _fps_body(pcs_hbm, out_hbm, px, py, pz, dist, outv):
    c = lax.axis_index("c")
    s = lax.axis_index("s")
    batch = c * 8 + s

    @pl.when(s < 8)
    def _():
        pltpu.sync_copy(pcs_hbm.at[pl.ds((batch * 3 + 0) * N, N)], px)
        pltpu.sync_copy(pcs_hbm.at[pl.ds((batch * 3 + 1) * N, N)], py)
        pltpu.sync_copy(pcs_hbm.at[pl.ds((batch * 3 + 2) * N, N)], pz)

        iota = lax.iota(jnp.int32, L)

        def init_body(j, carry):
            dist[pl.ds(j * L, L)] = jnp.full((L,), 1e10, jnp.float32)
            return carry

        lax.fori_loop(0, NCHUNK, init_body, 0)

        def step(i, carry):
            last, acc = carry
            lidx = jnp.full((L,), last, jnp.int32)
            lx = plsc.load_gather(px, [lidx])
            ly = plsc.load_gather(py, [lidx])
            lz = plsc.load_gather(pz, [lidx])

            def inner(j, carry):
                mv, mi = carry
                off = j * L
                dx = px[pl.ds(off, L)] - lx
                dy = py[pl.ds(off, L)] - ly
                dz = pz[pl.ds(off, L)] - lz
                d = dx * dx + dy * dy + dz * dz
                nd = jnp.minimum(dist[pl.ds(off, L)], d)
                dist[pl.ds(off, L)] = nd
                pred = nd > mv
                mv = jnp.where(pred, nd, mv)
                mi = jnp.where(pred, off + iota, mi)
                return mv, mi

            mv0 = jnp.full((L,), -1.0, jnp.float32)
            mi0 = jnp.zeros((L,), jnp.int32)
            mv, mi = lax.fori_loop(0, NCHUNK, inner, (mv0, mi0))
            m = jnp.max(mv)
            cand = jnp.where(mv == m, mi, jnp.int32(N))
            best = jnp.min(cand)
            acc = jnp.where(iota == (i & 15), jnp.full((L,), best, jnp.int32), acc)

            @pl.when((i & 15) == 15)
            def _():
                outv[pl.ds((i >> 4) * L, L)] = acc

            return best, acc

        lax.fori_loop(1, K, step, (jnp.int32(0), jnp.zeros((L,), jnp.int32)))
        pltpu.sync_copy(outv, out_hbm.at[pl.ds(batch * K, K)])


def kernel(pcs):
    mesh = plsc.VectorSubcoreMesh(core_axis_name="c", subcore_axis_name="s")
    out = pl.kernel(
        _fps_body,
        out_type=jax.ShapeDtypeStruct((B * K,), jnp.int32),
        mesh=mesh,
        compiler_params=pltpu.CompilerParams(needs_layout_passes=False),
        scratch_types=[
            pltpu.VMEM((N,), jnp.float32),
            pltpu.VMEM((N,), jnp.float32),
            pltpu.VMEM((N,), jnp.float32),
            pltpu.VMEM((N,), jnp.float32),
            pltpu.VMEM((K,), jnp.int32),
        ],
    )(pcs.reshape(-1))
    return out.reshape(B, K)

# --- scband reference (transcript-rebuilt; emitter-appended) ---
"""Pipeline reference for scband-farthest-point-sample-63256278335597 (READ-ONLY COPY).

The authoritative reference and input builder live on the scoring server;
editing this copy changes nothing except your own understanding.
"""

import jax, jax.numpy as jnp
import numpy as np

NUM_CENTROIDS = 2048


def setup_inputs(seed: int = 0) -> dict:
    key = jax.random.key(seed)
    pcs = jax.random.normal(key, (16, 3, 16384), dtype=jnp.float32)
    return {"pcs": pcs}


def _fps(pcs, num_centroids):
    # pcs: [B, 3, N]; returns int32 indices [B, num_centroids]
    B, C, N = pcs.shape

    def per_batch(p):  # p: [3, N]
        pts = p.T  # [N, 3]
        out0 = jnp.zeros((num_centroids,), dtype=jnp.int32)  # first centroid = index 0

        def body(i, carry):
            dist, last_idx, out = carry
            last_pt = pts[last_idx]  # gather [3]
            d = jnp.sum((pts - last_pt) ** 2, axis=1)  # [N]
            dist = jnp.minimum(dist, d)
            nxt = jnp.argmax(dist).astype(jnp.int32)
            out = out.at[i].set(nxt)
            return (dist, nxt, out)

        init = (jnp.full((N,), 1e10, dtype=jnp.float32), jnp.int32(0), out0)
        _, _, out = jax.lax.fori_loop(1, num_centroids, body, init)
        return out

    return jax.vmap(per_batch)(pcs)


def reference(pcs):
    # FarthestPointSample.forward: assert pcs.size(-1) >= num_centroids; returns int64 indices.
    # (jax default config uses int32 indices; values are identical.)
    assert pcs.shape[-1] >= NUM_CENTROIDS
    return _fps(pcs, NUM_CENTROIDS)

if __name__ == "__main__":
    import jax
    _d = setup_inputs()
    print(jax.jit(kernel)(*tuple(_d.values())))

</pallas_src>

<mosaic_0001>
#map = affine_map<(d0, d1) -> (0)>
module attributes {stable_mosaic.version = 14 : i64} {
  func.func @_fps_body(%arg0: i32, %arg1: i32, %arg2: memref<786432xf32, #tpu.memory_space<hbm>>, %arg3: memref<32768xi32, #tpu.memory_space<hbm>>, %arg4: memref<16384xf32, #tpu.memory_space<vmem>>, %arg5: memref<16384xf32, #tpu.memory_space<vmem>>, %arg6: memref<16384xf32, #tpu.memory_space<vmem>>, %arg7: memref<16384xf32, #tpu.memory_space<vmem>>, %arg8: memref<2048xi32, #tpu.memory_space<vmem>>) attributes {dimension_semantics = [#tpu.dimension_semantics<core_parallel>, #tpu.dimension_semantics<subcore_parallel>], iteration_bounds = array<i64: 2, 16>, scalar_prefetch = 0 : i64, scratch_operands = 5 : i64, tpu.core_type = #tpu.core_type<sc_vector_subcore>, window_params = [{transform_indices = #map}, {transform_indices = #map}]} {
    %mul3A = arith.constant 8 : i32
    %mul3A_0 = arith.muli %arg0, %mul3A : i32
    %add3A = arith.addi %mul3A_0, %arg1 : i32
    %lt3A = arith.constant 8 : i32
    %lt3A_1 = arith.cmpi slt, %arg1, %lt3A : i32
    %convert_element_type3A = arith.extui %lt3A_1 : i1 to i32
    %cond3A = arith.constant 0 : i32
    %cond3A_2 = arith.cmpi ne, %convert_element_type3A, %cond3A : i32
    scf.if %cond3A_2 {
      %mul3A_3 = arith.constant 3 : i32
      %mul3A_4 = arith.muli %add3A, %mul3A_3 : i32
      %add3A_5 = arith.constant 0 : i32
      %add3A_6 = arith.addi %mul3A_4, %add3A_5 : i32
      %mul3A_7 = arith.constant 16384 : i32
      %mul3A_8 = arith.muli %add3A_6, %mul3A_7 : i32
      "tpu.region"() ({
        %run_scoped3A = tpu.sem_alloc : memref<!tpu.dma_semaphore, #tpu.memory_space<semaphore_mem>>
        %dma_start3A = tpu.memref_slice %arg2[%mul3A_8] : memref<786432xf32, #tpu.memory_space<hbm>> -> memref<16384xf32, #tpu.memory_space<hbm>>
        %dma_start3A_36 = tpu.memref_slice %arg2[%mul3A_8] : memref<786432xf32, #tpu.memory_space<hbm>> -> memref<16384xf32, #tpu.memory_space<hbm>>
        tpu.enqueue_dma source(%dma_start3A_36 : memref<16384xf32, #tpu.memory_space<hbm>>) target(%arg4 : memref<16384xf32, #tpu.memory_space<vmem>>) target_semaphore(%run_scoped3A : memref<!tpu.dma_semaphore, #tpu.memory_space<semaphore_mem>>)
        %dma_wait3A = tpu.memref_slice %arg2[%mul3A_8] : memref<786432xf32, #tpu.memory_space<hbm>> -> memref<16384xf32, #tpu.memory_space<hbm>>
        %dma_wait3A_37 = tpu.memref_slice %arg2[%mul3A_8] : memref<786432xf32, #tpu.memory_space<hbm>> -> memref<16384xf32, #tpu.memory_space<hbm>>
        tpu.wait_dma2 semaphore(%run_scoped3A : memref<!tpu.dma_semaphore, #tpu.memory_space<semaphore_mem>>) src(%dma_wait3A_37 : memref<16384xf32, #tpu.memory_space<hbm>>) dst(%arg4 : memref<16384xf32, #tpu.memory_space<vmem>>)
        tpu.yield
      }) : () -> ()
      %mul3A_9 = arith.constant 3 : i32
      %mul3A_10 = arith.muli %add3A, %mul3A_9 : i32
      %add3A_11 = arith.constant 1 : i32
      %add3A_12 = arith.addi %mul3A_10, %add3A_11 : i32
      %mul3A_13 = arith.constant 16384 : i32
      %mul3A_14 = arith.muli %add3A_12, %mul3A_13 : i32
      "tpu.region"() ({
        %run_scoped3A = tpu.sem_alloc : memref<!tpu.dma_semaphore, #tpu.memory_space<semaphore_mem>>
        %dma_start3A = tpu.memref_slice %arg2[%mul3A_14] : memref<786432xf32, #tpu.memory_space<hbm>> -> memref<16384xf32, #tpu.memory_space<hbm>>
        %dma_start3A_36 = tpu.memref_slice %arg2[%mul3A_14] : memref<786432xf32, #tpu.memory_space<hbm>> -> memref<16384xf32, #tpu.memory_space<hbm>>
        tpu.enqueue_dma source(%dma_start3A_36 : memref<16384xf32, #tpu.memory_space<hbm>>) target(%arg5 : memref<16384xf32, #tpu.memory_space<vmem>>) target_semaphore(%run_scoped3A : memref<!tpu.dma_semaphore, #tpu.memory_space<semaphore_mem>>)
        %dma_wait3A = tpu.memref_slice %arg2[%mul3A_14] : memref<786432xf32, #tpu.memory_space<hbm>> -> memref<16384xf32, #tpu.memory_space<hbm>>
        %dma_wait3A_37 = tpu.memref_slice %arg2[%mul3A_14] : memref<786432xf32, #tpu.memory_space<hbm>> -> memref<16384xf32, #tpu.memory_space<hbm>>
        tpu.wait_dma2 semaphore(%run_scoped3A : memref<!tpu.dma_semaphore, #tpu.memory_space<semaphore_mem>>) src(%dma_wait3A_37 : memref<16384xf32, #tpu.memory_space<hbm>>) dst(%arg5 : memref<16384xf32, #tpu.memory_space<vmem>>)
        tpu.yield
      }) : () -> ()
      %mul3A_15 = arith.constant 3 : i32
      %mul3A_16 = arith.muli %add3A, %mul3A_15 : i32
      %add3A_17 = arith.constant 2 : i32
      %add3A_18 = arith.addi %mul3A_16, %add3A_17 : i32
      %mul3A_19 = arith.constant 16384 : i32
      %mul3A_20 = arith.muli %add3A_18, %mul3A_19 : i32
      "tpu.region"() ({
        %run_scoped3A = tpu.sem_alloc : memref<!tpu.dma_semaphore, #tpu.memory_space<semaphore_mem>>
        %dma_start3A = tpu.memref_slice %arg2[%mul3A_20] : memref<786432xf32, #tpu.memory_space<hbm>> -> memref<16384xf32, #tpu.memory_space<hbm>>
        %dma_start3A_36 = tpu.memref_slice %arg2[%mul3A_20] : memref<786432xf32, #tpu.memory_space<hbm>> -> memref<16384xf32, #tpu.memory_space<hbm>>
        tpu.enqueue_dma source(%dma_start3A_36 : memref<16384xf32, #tpu.memory_space<hbm>>) target(%arg6 : memref<16384xf32, #tpu.memory_space<vmem>>) target_semaphore(%run_scoped3A : memref<!tpu.dma_semaphore, #tpu.memory_space<semaphore_mem>>)
        %dma_wait3A = tpu.memref_slice %arg2[%mul3A_20] : memref<786432xf32, #tpu.memory_space<hbm>> -> memref<16384xf32, #tpu.memory_space<hbm>>
        %dma_wait3A_37 = tpu.memref_slice %arg2[%mul3A_20] : memref<786432xf32, #tpu.memory_space<hbm>> -> memref<16384xf32, #tpu.memory_space<hbm>>
        tpu.wait_dma2 semaphore(%run_scoped3A : memref<!tpu.dma_semaphore, #tpu.memory_space<semaphore_mem>>) src(%dma_wait3A_37 : memref<16384xf32, #tpu.memory_space<hbm>>) dst(%arg6 : memref<16384xf32, #tpu.memory_space<vmem>>)
        tpu.yield
      }) : () -> ()
      %iota3A = tpu.iota {dimensions = array<i32: 0>} : vector<16xi32>
      %scan3A = arith.constant 0 : i32
      %scan3A_21 = arith.constant 0 : i32
      %scan3A_22 = arith.constant 1024 : i32
      %scan3A_23 = arith.addi %scan3A_21, %scan3A_22 : i32
      %scan3A_24 = arith.constant 1 : i32
      scf.for %scan3A_36 = %scan3A_21 to %scan3A_23 step %scan3A_24  : i32 {
        %broadcast_in_dim3A_37 = arith.constant 1.000000e+10 : f32
        %broadcast_in_dim3A_38 = vector.broadcast %broadcast_in_dim3A_37 : f32 to vector<16xf32>
        %mul3A_39 = arith.constant 16 : i32
        %mul3A_40 = arith.muli %scan3A_36, %mul3A_39 : i32
        %swap3A = arith.index_cast %mul3A_40 : i32 to index
        %swap3A_41 = tpu.vector_load %arg7[%swap3A] {strides = array<i32>} : memref<16384xf32, #tpu.memory_space<vmem>>, vector<16xf32>,
        tpu.vector_store %arg7[%swap3A], %broadcast_in_dim3A_38 {strides = array<i32>} : memref<16384xf32, #tpu.memory_space<vmem>>, vector<16xf32>,
      }
      %scan3A_25 = arith.constant 1024 : i32
      %broadcast_in_dim3A = arith.constant 0 : i32
      %broadcast_in_dim3A_26 = vector.broadcast %broadcast_in_dim3A : i32 to vector<16xi32>
      %scan3A_27 = arith.constant 0 : i32
      %scan3A_28 = arith.constant 1 : i32
      %scan3A_29 = arith.constant 2047 : i32
      %scan3A_30 = arith.addi %scan3A_28, %scan3A_29 : i32
      %scan3A_31 = arith.constant 1 : i32
      %scan3A_32:2 = scf.for %scan3A_36 = %scan3A_28 to %scan3A_30 step %scan3A_31 iter_args(%scan3A_37 = %scan3A_27, %scan3A_38 = %broadcast_in_dim3A_26) -> (i32, vector<16xi32>)  : i32 {
        %broadcast_in_dim3A_39 = vector.broadcast %scan3A_37 : i32 to vector<16xi32>
        %gather3A = tpu.vector_load_idx %arg4[%broadcast_in_dim3A_39] : memref<16384xf32, #tpu.memory_space<vmem>>[vector<16xi32>], vector<16xf32>,
        %gather3A_40 = tpu.vector_load_idx %arg5[%broadcast_in_dim3A_39] : memref<16384xf32, #tpu.memory_space<vmem>>[vector<16xi32>], vector<16xf32>,
        %gather3A_41 = tpu.vector_load_idx %arg6[%broadcast_in_dim3A_39] : memref<16384xf32, #tpu.memory_space<vmem>>[vector<16xi32>], vector<16xf32>,
        %broadcast_in_dim3A_42 = arith.constant -1.000000e+00 : f32
        %broadcast_in_dim3A_43 = vector.broadcast %broadcast_in_dim3A_42 : f32 to vector<16xf32>
        %broadcast_in_dim3A_44 = arith.constant 0 : i32
        %broadcast_in_dim3A_45 = vector.broadcast %broadcast_in_dim3A_44 : i32 to vector<16xi32>
        %scan3A_46 = arith.constant 0 : i32
        %scan3A_47 = arith.constant 1024 : i32
        %scan3A_48 = arith.addi %scan3A_46, %scan3A_47 : i32
        %scan3A_49 = arith.constant 1 : i32
        %scan3A_50:2 = scf.for %scan3A_76 = %scan3A_46 to %scan3A_48 step %scan3A_49 iter_args(%scan3A_77 = %broadcast_in_dim3A_43, %scan3A_78 = %broadcast_in_dim3A_45) -> (vector<16xf32>, vector<16xi32>)  : i32 {
          %mul3A_79 = arith.constant 16 : i32
          %mul3A_80 = arith.muli %scan3A_76, %mul3A_79 : i32
          %get3A = arith.index_cast %mul3A_80 : i32 to index
          %get3A_81 = tpu.vector_load %arg4[%get3A] {strides = array<i32>} : memref<16384xf32, #tpu.memory_space<vmem>>, vector<16xf32>,
          %sub3A = arith.subf %get3A_81, %gather3A : vector<16xf32>
          %get3A_82 = arith.index_cast %mul3A_80 : i32 to index
          %get3A_83 = tpu.vector_load %arg5[%get3A_82] {strides = array<i32>} : memref<16384xf32, #tpu.memory_space<vmem>>, vector<16xf32>,
          %sub3A_84 = arith.subf %get3A_83, %gather3A_40 : vector<16xf32>
          %get3A_85 = arith.index_cast %mul3A_80 : i32 to index
          %get3A_86 = tpu.vector_load %arg6[%get3A_85] {strides = array<i32>} : memref<16384xf32, #tpu.memory_space<vmem>>, vector<16xf32>,
          %sub3A_87 = arith.subf %get3A_86, %gather3A_41 : vector<16xf32>
          %mul3A_88 = arith.mulf %sub3A, %sub3A : vector<16xf32>
          %mul3A_89 = arith.mulf %sub3A_84, %sub3A_84 : vector<16xf32>
          %add3A_90 = arith.addf %mul3A_88, %mul3A_89 : vector<16xf32>
          %mul3A_91 = arith.mulf %sub3A_87, %sub3A_87 : vector<16xf32>
          %add3A_92 = arith.addf %add3A_90, %mul3A_91 : vector<16xf32>
          %get3A_93 = arith.index_cast %mul3A_80 : i32 to index
          %get3A_94 = tpu.vector_load %arg7[%get3A_93] {strides = array<i32>} : memref<16384xf32, #tpu.memory_space<vmem>>, vector<16xf32>,
          %min3A = arith.minimumf %get3A_94, %add3A_92 : vector<16xf32>
          %swap3A = arith.index_cast %mul3A_80 : i32 to index
          %swap3A_95 = tpu.vector_load %arg7[%swap3A] {strides = array<i32>} : memref<16384xf32, #tpu.memory_space<vmem>>, vector<16xf32>,
          tpu.vector_store %arg7[%swap3A], %min3A {strides = array<i32>} : memref<16384xf32, #tpu.memory_space<vmem>>, vector<16xf32>,
          %gt3A = arith.cmpf ogt, %min3A, %scan3A_77 : vector<16xf32>
          %select_n3A_96 = arith.select %gt3A, %min3A, %scan3A_77 : vector<16xi1>, vector<16xf32>
          %add3A_97 = vector.broadcast %mul3A_80 : i32 to vector<16xi32>
          %add3A_98 = arith.addi %add3A_97, %iota3A : vector<16xi32>
          %select_n3A_99 = arith.select %gt3A, %add3A_98, %scan3A_78 : vector<16xi1>, vector<16xi32>
          scf.yield %select_n3A_96, %select_n3A_99 : vector<16xf32>, vector<16xi32>
        }
        %scan3A_51 = arith.constant 1024 : i32
        %reduce_max3A = arith.constant true
        %reduce_max3A_52 = vector.broadcast %reduce_max3A : i1 to vector<16xi1>
        %reduce_max3A_53 = tpu.scan <max>, %scan3A_50#0 masked %reduce_max3A_52 : vector<16xf32>, vector<16xi1> -> vector<16xf32>
        %reduce_max3A_54 = vector.extract %reduce_max3A_53[15] : f32 from vector<16xf32>
        %eq3A = vector.broadcast %reduce_max3A_54 : f32 to vector<16xf32>
        %eq3A_55 = arith.cmpf oeq, %scan3A_50#0, %eq3A : vector<16xf32>
        %jit3A = arith.constant 16384 : i32
        %broadcast_in_dim3A_56 = vector.broadcast %jit3A : i32 to vector<16xi32>
        %select_n3A = arith.select %eq3A_55, %scan3A_50#1, %broadcast_in_dim3A_56 : vector<16xi1>, vector<16xi32>
        %reduce_min3A = arith.constant true
        %reduce_min3A_57 = vector.broadcast %reduce_min3A : i1 to vector<16xi1>
        %reduce_min3A_58 = arith.constant -2147483648 : i32
        %reduce_min3A_59 = vector.broadcast %reduce_min3A_58 : i32 to vector<16xi32>
        %reduce_min3A_60 = arith.xori %select_n3A, %reduce_min3A_59 : vector<16xi32>
        %reduce_min3A_61 = tpu.scan <min>, %reduce_min3A_60 masked %reduce_min3A_57 : vector<16xi32>, vector<16xi1> -> vector<16xi32>
        %reduce_min3A_62 = arith.xori %reduce_min3A_61, %reduce_min3A_59 : vector<16xi32>
        %reduce_min3A_63 = vector.extract %reduce_min3A_62[15] : i32 from vector<16xi32>
        %and3A = arith.constant 15 : i32
        %and3A_64 = arith.andi %scan3A_36, %and3A : i32
        %eq3A_65 = vector.broadcast %and3A_64 : i32 to vector<16xi32>
        %eq3A_66 = arith.cmpi eq, %iota3A, %eq3A_65 : vector<16xi32>
        %broadcast_in_dim3A_67 = vector.broadcast %reduce_min3A_63 : i32 to vector<16xi32>
        %select_n3A_68 = arith.select %eq3A_66, %broadcast_in_dim3A_67, %scan3A_38 : vector<16xi1>, vector<16xi32>
        %and3A_69 = arith.constant 15 : i32
        %and3A_70 = arith.andi %scan3A_36, %and3A_69 : i32
        %eq3A_71 = arith.constant 15 : i32
        %eq3A_72 = arith.cmpi eq, %and3A_70, %eq3A_71 : i32
        %convert_element_type3A_73 = arith.extui %eq3A_72 : i1 to i32
        %cond3A_74 = arith.constant 0 : i32
        %cond3A_75 = arith.cmpi ne, %convert_element_type3A_73, %cond3A_74 : i32
        scf.if %cond3A_75 {
          %shift_right_arithmetic3A = arith.constant 4 : i32
          %shift_right_arithmetic3A_76 = arith.shrsi %scan3A_36, %shift_right_arithmetic3A : i32
          %mul3A_77 = arith.constant 16 : i32
          %mul3A_78 = arith.muli %shift_right_arithmetic3A_76, %mul3A_77 : i32
          %swap3A = arith.index_cast %mul3A_78 : i32 to index
          %swap3A_79 = tpu.vector_load %arg8[%swap3A] {strides = array<i32>} : memref<2048xi32, #tpu.memory_space<vmem>>, vector<16xi32>,
          tpu.vector_store %arg8[%swap3A], %select_n3A_68 {strides = array<i32>} : memref<2048xi32, #tpu.memory_space<vmem>>, vector<16xi32>,
        } else {
        }
        scf.yield %reduce_min3A_63, %select_n3A_68 : i32, vector<16xi32>
      }
      %scan3A_33 = arith.constant 2047 : i32
      %mul3A_34 = arith.constant 2048 : i32
      %mul3A_35 = arith.muli %add3A, %mul3A_34 : i32
      "tpu.region"() ({
        %run_scoped3A = tpu.sem_alloc : memref<!tpu.dma_semaphore, #tpu.memory_space<semaphore_mem>>
        %dma_start3A = tpu.memref_slice %arg3[%mul3A_35] : memref<32768xi32, #tpu.memory_space<hbm>> -> memref<2048xi32, #tpu.memory_space<hbm>>
        %dma_start3A_36 = tpu.memref_slice %arg3[%mul3A_35] : memref<32768xi32, #tpu.memory_space<hbm>> -> memref<2048xi32, #tpu.memory_space<hbm>>
        tpu.enqueue_dma source(%arg8 : memref<2048xi32, #tpu.memory_space<vmem>>) target(%dma_start3A_36 : memref<2048xi32, #tpu.memory_space<hbm>>) target_semaphore(%run_scoped3A : memref<!tpu.dma_semaphore, #tpu.memory_space<semaphore_mem>>)
        %dma_wait3A = tpu.memref_slice %arg3[%mul3A_35] : memref<32768xi32, #tpu.memory_space<hbm>> -> memref<2048xi32, #tpu.memory_space<hbm>>
        %dma_wait3A_37 = tpu.memref_slice %arg3[%mul3A_35] : memref<32768xi32, #tpu.memory_space<hbm>> -> memref<2048xi32, #tpu.memory_space<hbm>>
        tpu.wait_dma2 semaphore(%run_scoped3A : memref<!tpu.dma_semaphore, #tpu.memory_space<semaphore_mem>>) src(%arg8 : memref<2048xi32, #tpu.memory_space<vmem>>) dst(%dma_wait3A_37 : memref<2048xi32, #tpu.memory_space<hbm>>)
        tpu.yield
      }) : () -> ()
    } else {
    }
    return
  }
}

</mosaic_0001>

<sc_bundles>
// kernel: kernel.3.cloned.1.call-start
scs
__scs_entry_jumppad:
0x0: {  	(pc) =	sbr.rel $0x88, $3  }
0x1: {  	(tag) =	ssettag $0x0;
	lr =	simm.s32 $0x1  }
0x2: {  	[smem:$0x3FA0] =	sst lr;
	_ =	strace $0xD0000000  }
0x3: {  	_ = 	snop  }
0x4: {  	_ = 	snop  }
0x5: {  	_ = 	snop  }
0x6: {  	_ = 	snop  }
0x7: {  	_ = 	snop  }
__scs_overlays_trampoline_lowered:
0x8: {  	[smem:$0x3FAF] =	sst s0  }
0x9: {  	[smem:$0x3FB0] =	sst s1  }
0xa: {  	[smem:$0x3FB1] =	sst s2  }
0xb: {  	[smem:$0x3FB2] =	sst s3  }
0xc: {  	[smem:$0x3FB3] =	sst s4  }
0xd: {  	[smem:$0x3FB4] =	sst s5  }
0xe: {  	[smem:$0x3FB5] =	sst s6  }
0xf: {  	[smem:$0x3FB6] =	sst s7  }
0x10: {  	[smem:$0x3FB7] =	sst s8  }
0x11: {  	[smem:$0x3FB8] =	sst s9;
	s0 =	simm.s32 @!p0 $0x0  }
0x12: {  	s1 =	sld [smem:$0x3F9E];
	s0 =	simm.s32 @p0 $0x1  }
0x13: {  	[smem:$0x3FB9] =	sst s0;
	s0 =	simm.s32 @!p1 $0x0  }
0x14: {  	s2 =	sld [smem:$0x3F9D];
	s0 =	simm.s32 @p1 $0x1  }
0x15: {  	[smem:$0x3FBA] =	sst s0;
	s0 =	simm.s32 @!p2 $0x0  }
0x16: {  	s3 =	sld [smem:$0x3FDB];
	s0 =	simm.s32 @p2 $0x1  }
0x17: {  	s4 =	simm.s32 $0x1BF5;
	[smem:$0x3FBC] =	sst s0  }
0x18: {  	s0 =	sld [smem:$0x3F9F];
	_ =	swait.ge [sflag:s4], $0x0  }
0x19: {  	s7 =	sld [smem:$0x3FA0]  }
0x1a: {  	s8 =	sadd.s32 $0xFFFFE003, lr  }
0x1b: {  	s9 =	sadd.s32 $0xFFFFFEF7, lr;
	s5 =	simm.s32 $0xFFFFFFFF;
	p2 =	slt.u32 s8, $0xFFFFF086  }
0x1c: {  	p1 =	slt.u32 s9, $0xF7A;
	s5 =	simm.s32 @!p2 $0x0  }
0x1d: {  	s5 =	simm.s32 @p1 $0x1;
	p0 =	seq.s32 s7, s2  }
0x1e: {  	s7 =	smul.u32 @!p0 $0xF7A, s2;
	p2 =	seq.s32 @!p0 s5, $0x0  }
0x1f: {  	s9 =	smul.u32 $0xF7A, s1;
	s8 =	simm.s32 @!p0 $0x1BF5;
	p2 =	por !p2, p0  }
0x20: {  	[sflag:s8] =	ssyncset.s32 @!p0 $0xFFFFF086;
	s6 =	sadd.s32 @!p0 s3, s7;
	s7 =	simm.s32 @!p0 $0x108  }
0x21: {  	s3 =	sadd.s32 s3, s9;
	s6 =	sadd.s32 @!p0 $0x88, s6;
	s7 =	simm.s32 @p2 $0x1082  }
0x22: {  	[simem:s7], [sflag:s8] =	dma.local @!p0 [hbm:s6], $0xF7A  }
0x23: {  	s9 =	sor.u32 $0xD0000000, s2;
	s6 =	simm.s32 $0x108;
	_ =	swait.ge @!p0 [sflag:s8], $0x0  }
0x24: {  	s3 =	sadd.s32 $0x88, s3;
	s6 =	simm.s32 @!p1 $0x1082;
	[sflag:s4] =	ssyncset.s32 $0xFFFFF086  }
0x25: {  	[simem:s6], [sflag:s4] =	dma.local [hbm:s3], $0xF7A  }
0x26: {  	[smem:$0x3FA0] =	sst s1;
	(tag) =	ssettag s2;
	_ =	strace s9  }
0x27: {  	s1 =	sld [smem:$0x3FB0]  }
0x28: {  	s2 =	sld [smem:$0x3FB1]  }
0x29: {  	s4 =	sld [smem:$0x3FB3]  }
0x2a: {  	p0 =	seq.s32 s5, $0x0;
	s5 =	sld [smem:$0x3FB4]  }
0x2b: {  	s6 =	sld [smem:$0x3FB5]  }
0x2c: {  	s7 =	sld [smem:$0x3FB6]  }
0x2d: {  	s3 =	simm.s32 $0x108;
	s8 =	sld [smem:$0x3FB7]  }
0x2e: {  	s3 =	simm.s32 @!p0 $0x1082;
	s9 =	sld [smem:$0x3FB8]  }
0x2f: {  	lr =	sadd.s32 s0, s3;
	s0 =	sld [smem:$0x3FAF]  }
0x30: {  	s3 =	sld [smem:$0x3FB2]  }
0x31: {  	[smem:$0x3FBB] =	sst s10  }
0x32: {  	s10 =	sld [smem:$0x3FB9];
	_ =	sdelay $0x3  }
0x33: {  	p0 =	seq.s32 s10, $0x1;
	s10 =	sld [smem:$0x3FBB];
	_ =	sdelay $0x3  }
0x34: {  	[smem:$0x3FBB] =	sst s10  }
0x35: {  	s10 =	sld [smem:$0x3FBA];
	_ =	sdelay $0x3  }
0x36: {  	p1 =	seq.s32 s10, $0x1;
	s10 =	sld [smem:$0x3FBB];
	_ =	sdelay $0x3  }
0x37: {  	[smem:$0x3FBB] =	sst s10  }
0x38: {  	s10 =	sld [smem:$0x3FBC]  }
0x39: {  	_ = 	snop;
	(pc) =	sbr.ind lr, $3  }
0x3a: {  	_ = 	snop  }
0x3b: {  	_ = 	snop  }
0x3c: {  	p2 =	seq.s32 s10, $0x1;
	s10 =	sld [smem:$0x3FBB]  }
0x3d: {  	_ =	shalt  }
0x3e: {  	_ =	shalt  }
0x3f: {  	_ =	shalt  }
0x40: {  	_ =	shalt  }
0x41: {  	_ =	shalt  }
0x42: {  	_ =	shalt  }
0x43: {  	_ =	shalt  }
0x44: {  	_ =	shalt  }
0x45: {  	_ =	shalt  }
0x46: {  	_ =	shalt  }
0x47: {  	_ =	shalt  }
0x48: {  	_ =	shalt  }
0x49: {  	_ =	shalt  }
0x4a: {  	_ =	shalt  }
0x4b: {  	_ =	shalt  }
0x4c: {  	_ =	shalt  }
0x4d: {  	_ =	shalt  }
0x4e: {  	_ =	shalt  }
0x4f: {  	_ =	shalt  }
0x50: {  	_ =	shalt  }
0x51: {  	_ =	shalt  }
0x52: {  	_ =	shalt  }
0x53: {  	_ =	shalt  }
0x54: {  	_ =	shalt  }
0x55: {  	_ =	shalt  }
0x56: {  	_ =	shalt  }
0x57: {  	_ =	shalt  }
0x58: {  	_ =	shalt  }
0x59: {  	_ =	shalt  }
0x5a: {  	_ =	shalt  }
0x5b: {  	_ =	shalt  }
0x5c: {  	_ =	shalt  }
0x5d: {  	_ =	shalt  }
0x5e: {  	_ =	shalt  }
0x5f: {  	_ =	shalt  }
0x60: {  	_ =	shalt  }
0x61: {  	_ =	shalt  }
0x62: {  	_ =	shalt  }
0x63: {  	_ =	shalt  }
0x64: {  	_ =	shalt  }
0x65: {  	_ =	shalt  }
0x66: {  	_ =	shalt  }
0x67: {  	_ =	shalt  }
0x68: {  	_ =	shalt  }
0x69: {  	_ =	shalt  }
0x6a: {  	_ =	shalt  }
0x6b: {  	_ =	shalt  }
0x6c: {  	_ =	shalt  }
0x6d: {  	_ =	shalt  }
0x6e: {  	_ =	shalt  }
0x6f: {  	_ =	shalt  }
0x70: {  	_ =	shalt  }
0x71: {  	_ =	shalt  }
0x72: {  	_ =	shalt  }
0x73: {  	_ =	shalt  }
0x74: {  	_ =	shalt  }
0x75: {  	_ =	shalt  }
0x76: {  	_ =	shalt  }
0x77: {  	_ =	shalt  }
0x78: {  	_ =	shalt  }
0x79: {  	_ =	shalt  }
0x7a: {  	_ =	shalt  }
0x7b: {  	_ =	shalt  }
0x7c: {  	_ =	shalt  }
0x7d: {  	_ =	shalt  }
0x7e: {  	_ =	shalt  }
0x7f: {  	_ =	shalt  }
0x80: {  	_ =	shalt  }
0x81: {  	_ =	shalt  }
0x82: {  	_ =	shalt  }
0x83: {  	_ =	shalt  }
0x84: {  	_ =	shalt  }
0x85: {  	_ =	shalt  }
0x86: {  	_ =	shalt  }
0x87: {  	_ =	shalt  }
.Lfunc_end0:
.L_simem_size_0:
called_computation_lowered:
.L_overlay_start_0:
0x88: {  	s2 =	sld [smem:$0x3FD9]  }
0x89: {  	s3 =	sld [smem:$0x3FFE];
	_ =	sdelay $0x1  }
0x8a: {  	s1 =	srdreg.scid  }
0x8b: {  	s0 =	sand.u32 $0x1, s1  }
0x8c: {  	s16 =	sshll.u32 s0, $0xA;
	s2 =	sadd.s32 s3, s2  }
0x8d: {  	s2 =	sadd.s32 s2, s16  }
0x8e: {  	[smem:$0x3FC7] =	sst s2  }
0x8f: {  	_ = 	snop  }
0x90: {  	(tm) =	ssettm $0x1  }
0x91: {  	s17 =	sld [smem:$0x3FFB];
	_ =	sdelay $0x3  }
0x92: {  	_ =	strace s17  }
0x93: {  	s2 =	sld [smem:$0x3FFC];
	_ =	sdelay $0x3  }
0x94: {  	_ =	strace s2  }
0x95: {  	s2 =	sld [smem:$0x3FFD];
	_ =	sdelay $0x3  }
0x96: {  	_ =	strace s2  }
0x97: {  	_ =	strace $0x8FFFFFFF  }
0x98: {  	s18 =	sld [smem:$0x3FDB];
	_ =	sdelay $0x1  }
0x99: {  	s19 =	simm.s32 $_scs_section_size  }
0x9a: {  	s4 =	simm.s32 $_size__tile_overlayer_lowered;
	s5 =	simm.s32 $_tile_overlayer_lowered  }
0x9b: {  	s22 =	simm.s32 $0x1BFF;
	s21 =	sshll.u32 s5, $0x1;
	s2 =	sadd.s32 s19, s18  }
0x9c: {  	s6 =	simm.s32 $0x0;
	s20 =	sshll.u32 s4, $0x1;
	s4 =	sadd.s32 s21, s2  }
0x9d: {  	[timem:s6], [sflag:s22] =	dma.local [hbm:s4], s20  }
0x9e: {  	_ =	swait.ge [sflag:s22], s20  }
0x9f: {  	s3 =	ssub.s32 $0x0, s20;
	[sflag:s22] =	ssyncset.done $0x0  }
0xa0: {  	[sflag:s22] =	ssyncadd.s32 s3;
	_ =	sdelay $0x1  }
0xa1: {  	s23 =	simm.s32 $0x1B8B  }
0xa2: {  	_ =	swait.ge [sflag:s23], $0x1  }
0xa3: {  	[sflag:s23] =	ssyncset.done $0x0  }
0xa4: {  	s25 =	simm.s32 $0x1B8E;
	s24 =	sld [smem:$0x3FFE];
	[sflag:s23] =	ssyncadd.s32 $0xFFFFFFFF  }
0xa5: {  	s26 =	simm.s32 $execute0_lowered;
	[smem:$0x3FD2] =	sst s25  }
0xa6: {  	s4 =	sshll.u32 s26, $0x1;
	_ =	strace $0x80000046;
	[dreg:$0x1] =	wrdreg $0xFFFFFFFF  }
0xa7: {  	s28 =	simm.s32 $_size_execute0_lowered;
	s2 =	sadd.s32 s2, s4;
	[dreg:$0x0] =	wrdreg $0x0  }
0xa8: {  	s4 =	sshll.u32 s28, $0x1;
	[dreg:$0x2] =	wrdreg s2  }
0xa9: {  	[dreg:$0x3] =	wrdreg s4  }
0xaa: {  	[dreg:$0x4] =	wrdreg $0xC0  }
0xab: {  	_ =	task [dreg:s6], $0x5FFFF  }
0xac: {  	[dreg:$0x1] =	wrdreg $0xFFFFFFFF  }
0xad: {  	[dreg:$0x0] =	wrdreg $0x60  }
0xae: {  	[dreg:$0x2] =	wrdreg s24  }
0xaf: {  	[dreg:$0x3] =	wrdreg $0x9  }
0xb0: {  	_ =	task.clear_ibuf [dreg:s6], $0x4FFFF;
	_ =	strace $0x90000046  }
0xb1: {  	s29 =	simm.s32 $0x9;
	_ =	strace $0x80000048  }
0xb2: {  	_ =	swait.ge [sflag:s29], $0x1  }
0xb3: {  	[sflag:s29] =	ssyncadd.s32 $0xFFFFFFFF  }
0xb4: {  	_ =	strace $0x90000048  }
0xb5: {  	_ =	sfence  }
0xb6: {  	s30 =	sld [smem:$0x0];
	_ =	sdelay $0x2  }
0xb7: {  	s31 =	sshll.u32 s1, $0xD;
	s1 =	sshrl.u32 s1, $0x2  }
0xb8: {  	s3 =	sand.u32 $0x4000, s31;
	s1 =	sadd.s32 s1, s30  }
0xb9: {  	s0 =	sor.u32 s3, s0;
	s1 =	sshll.u32 s1, $0x11  }
0xba: {  	s0 =	sor.u32 s1, s0  }
0xbb: {  	s0 =	sadd.s32 $0x8F2B, s0  }
0xbc: {  	[sflag:s0] =	ssyncadd.remote.s32 $0x1  }
0xbd: {  	_ =	sfence.sel $0xFFFF  }
0xbe: {  	[dreg:$0x0] =	wrdreg $0xFFFFFFFF;
	(pc) =	sbr.abs _section_cstart, $3  }
0xbf: {  	[dreg:$0x1] =	wrdreg $0xFFFFFFFF  }
0xc0: {  	_ =	task.clear_ibuf [dreg:s6], $0x2FFFF;
	_ =	strace $0x9FFFFFFF  }
0xc1: {  	(tm) =	ssettm $0x7FFFFFFF  }
tec
execute0_lowered:
.L_overlay_start_1:
0x0: {  	(tag) =	ssettag $0x1  }
0x1: {  	s1 =	stileid.u32  }
0x2: {  	p0 =	sgt.u32 s1, $0x7  }
.Ltmp0:
0x3: {  	_ = 	snop;
	(pc) =	sbr.rel @p0 .LBB2_9-.Ltmp0, $4  }
0x4: {  	_ = 	snop  }
0x5: {  	s3 =	rddreg [dreg:$0x0];
	s2 =	simm.s32 $0x0  }
0x6: {  	[smem:$0x7FF] =	sst s2  }
0x7: {  	s0 =	rddreg [dreg:$0x1];
	_ =	strace $0x80000047  }
0x8: {  	s4 =	srdreg.scid  }
0x9: {  	s4 =	sand.u32 $0x1, s4  }
0xa: {  	s5 =	sshll.u32 s4, $0x3  }
0xb: {  	s8 =	sadd.s32 $0x400, s3;
	s11 =	simm.s32 $0x10000;
	s5 =	sadd.s32 s1, s5  }
0xc: {  	s12 =	simm.s32 $0x0;
	s9 =	ssub.s32 $0x2, s4;
	s6 =	smul.u32 $0xC000, s5  }
0xd: {  	s30 =	sshrl.u32 s9, $0x1;
	s7 =	sshll.u32 s5, $0x8;
	s10 =	smul.u32 $0x1800, s5  }
0xe: {  	s31 =	ssub.s32 s9, s30;
	s7 =	sadd.s32 s7, s3;
	s29 =	sshrl.u32 s6, $0x3  }
0xf: {  	s9 =	simm.s32 $0x4000;
	s5 =	sadd.s32 $0x18400, s7;
	s6 =	sadd.s32 s8, s29  }
0x10: {  	s7 =	smax.u32 s31, $0x1;
	s3 =	sadd.s32 $0x800, s6;
	s4 =	sadd.s32 $0x1000, s6  }
0x11: {  	v0 =	vimm.f32 $1.000000000e+10;
	v1 =	vlaneseq.u32;
	v2 =	vimm.s32 $0x0;
	s6 =	sadd.s32 s8, s10;
	s8 =	simm.s32 $0x1;
	s10 =	simm.s32 $0x8000  }
.LBB2_2:
0x12: {  	s14 =	simm.s32 $0x0  }
0x13: {  	[tilespmem:s14], [sflag:$0x1] =	stream.linear.gather [hbm4b:s6+s14], $0x4000, $0x38;
	[tilespmem:$0x10800] =	vst v63  }
0x14: {  	_ =	swait.ge [sflag:s8], $0x4000  }
0x15: {  	[sflag:s8] =	ssyncset.done $0x0  }
0x16: {  	[sflag:s8] =	ssyncadd.s32 $0xFFFFC000  }
0x17: {  	[tilespmem:s9], [sflag:$0x1] =	stream.linear.gather [hbm4b:s3+s14], $0x4000, $0x38;
	[tilespmem:$0x10800] =	vst v63  }
0x18: {  	_ =	swait.ge [sflag:s8], $0x4000  }
0x19: {  	[sflag:s8] =	ssyncset.done $0x0  }
0x1a: {  	[sflag:s8] =	ssyncadd.s32 $0xFFFFC000  }
0x1b: {  	[tilespmem:s10], [sflag:$0x1] =	stream.linear.gather [hbm4b:s4+s14], $0x4000, $0x38;
	[tilespmem:$0x10800] =	vst v63  }
0x1c: {  	_ =	swait.ge [sflag:s8], $0x4000  }
0x1d: {  	[sflag:s8] =	ssyncset.done $0x0  }
0x1e: {  	s13 =	simm.s32 $0x0;
	[sflag:s8] =	ssyncadd.s32 $0xFFFFC000  }
.LBB2_3:
0x1f: {  	p0 =	sne.s32 s13, $0xFFC0  }
.Ltmp1:
0x20: {  	_ = 	snop;
	(pc) =	sbr.rel @p0 .LBB2_3-.Ltmp1, $3  }
0x21: {  	_ =	sdelay $0x1  }
0x22: {  	s15 =	sshra.s32 s13, $0x2  }
0x23: {  	s13 =	sadd.s32 $0x40, s13;
	[tilespmem:s15+$0xC000] =	vst v0  }
0x24: {  	s13 =	simm.s32 $0x1;
	v3 =	vimm.s32 $0x0  }
.LBB2_5:
0x25: {  	v6 =	vmov s14;
	_ =	sdelay $0x1  }
0x26: {  	s17 =	simm.s32 $0x0  }
0x27: {  	s31 =	simm.s32 $0x4000;
	v7 =	vld [tilespmem:s17+$0x0]  }
0x28: {  	v8 =	vld [tilespmem:s31+$0x0]  }
0x29: {  	v4 =	vld.idx.msk [tilespmem:v6+s17+$0x0], $0xffff  }
0x2a: {  	s15 =	simm.s32 $0x8000;
	v5 =	vld.idx.msk [tilespmem:v6+s31+$0x0], $0xffff  }
0x2b: {  	v9 =	vld [tilespmem:s15+$0x0]  }
0x2c: {  	v6 =	vld.idx.msk [tilespmem:v6+s15+$0x0], $0xffff;
	_ =	sdelay $0x2  }
0x2d: {  	v7 =	vsub.f32 v7, v4;
	v8 =	vsub.f32 v8, v5;
	_ =	sdelay $0x1  }
0x2e: {  	s14 =	simm.s32 $0xC000;
	v9 =	vsub.f32 v9, v6;
	v7 =	vmul.f32 v7, v7;
	v8 =	vmul.f32 v8, v8  }
0x2f: {  	v10 =	vld [tilespmem:s14+$0x0]  }
0x30: {  	v7 =	vadd.f32 v8, v7;
	v8 =	vmul.f32 v9, v9;
	_ =	sdelay $0x1  }
0x31: {  	v7 =	vadd.f32 v8, v7;
	_ =	sdelay $0x1  }
0x32: {  	v8 =	vimm.f32 $-1.000000000e+00;
	v7 =	vmin.f32 v10, v7  }
0x33: {  	s16 =	simm.s32 $0x10;
	v10 =	vor.u32 s17, v1;
	[tilespmem:s14+$0x0] =	vst v7;
	vm0 =	vgt.f32 v7, v8  }
0x34: {  	s18 =	simm.s32 $0x4010;
	s19 =	simm.s32 $0x10;
	s17 =	simm.s32 $0x20;
	v9 =	vld [tilespmem:s16+$0x0];
	v8 =	vsel vm0, v7, v8;
	v7 =	vsel vm0, v10, v2  }
.LBB2_6:
0x35: {  	p0 =	sne.s32 s17, $0x3FF0;
	v10 =	vld [tilespmem:s18+$0x0]  }
0x36: {  	s15 =	sadd.s32 $0x10, s15  }
0x37: {  	v11 =	vld [tilespmem:s15+$0x0];
	_ =	sdelay $0x2  }
0x38: {  	v9 =	vsub.f32 v9, v4;
	v10 =	vsub.f32 v10, v5;
	_ =	sdelay $0x1  }
0x39: {  	s14 =	sadd.s32 $0x10, s14;
	v9 =	vmul.f32 v9, v9;
	v11 =	vsub.f32 v11, v6;
	v10 =	vmul.f32 v10, v10  }
0x3a: {  	v12 =	vld [tilespmem:s14+$0x0]  }
0x3b: {  	v9 =	vadd.f32 v10, v9;
	v10 =	vmul.f32 v11, v11;
	_ =	sdelay $0x1  }
.Ltmp2:
0x3c: {  	v9 =	vadd.f32 v10, v9;
	(pc) =	sbr.rel @p0 .LBB2_6-.Ltmp2, $4  }
0x3d: {  	_ = 	snop  }
0x3e: {  	v10 =	vmin.f32 v12, v9  }
0x3f: {  	s19 =	sadd.s32 $0x10, s19;
	v11 =	vor.u32 s16, v1;
	s16 =	smov.u32 s17;
	[tilespmem:s14+$0x0] =	vst v10;
	vm0 =	vgt.f32 v10, v8  }
0x40: {  	s18 =	sadd.s32 $0x10, s18;
	s17 =	sadd.s32 $0x10, s17;
	v9 =	vld [tilespmem:s19+$0x0];
	v8 =	vsel vm0, v10, v8;
	v7 =	vsel vm0, v11, v7  }
0x41: {  	v10 =	vld [tilespmem:s18+$0x0]  }
0x42: {  	s15 =	sadd.s32 $0x10, s15  }
0x43: {  	v11 =	vld [tilespmem:s15+$0x0];
	_ =	sdelay $0x2  }
0x44: {  	v4 =	vsub.f32 v9, v4;
	v5 =	vsub.f32 v10, v5;
	_ =	sdelay $0x1  }
0x45: {  	s29 =	sadd.s32 $0x10, s14;
	v6 =	vsub.f32 v11, v6;
	v4 =	vmul.f32 v4, v4;
	v5 =	vmul.f32 v5, v5  }
0x46: {  	v61 =	vld [tilespmem:s29+$0x0]  }
0x47: {  	v4 =	vadd.f32 v5, v4;
	v5 =	vmul.f32 v6, v6;
	_ =	sdelay $0x1  }
0x48: {  	v4 =	vadd.f32 v5, v4;
	_ =	sdelay $0x1  }
0x49: {  	v4 =	vmin.f32 v61, v4  }
0x4a: {  	vm0 =	vgt.f32 v4, v8  }
0x4b: {  	v5 =	vsel vm0, v4, v8  }
0x4c: {  	(xrf0) =	vmax.scan.msk.f32 $0xffff, v5;
	_ =	sdelay $0x5  }
0x4d: {  	v62, _, _ =	vpop (xrf0)  }
0x4e: {  	v63 =	vor.u32 s16, v1;
	v6 =	vbroadcast v62, $0xF  }
0x4f: {  	v7 =	vsel vm0, v63, v7  }
0x50: {  	vm14 =	veq.f32 v5, v6;
	v5 =	vxor.u32 $0x80000000, v7  }
0x51: {  	v5 =	vnsel vm14, $0x80004000, v5  }
0x52: {  	(xrf0) =	vmin.scan.msk.u32 $0xffff, v5;
	_ =	sdelay $0x5  }
0x53: {  	v5, _, _ =	vpop (xrf0)  }
0x54: {  	(v2sf) =	vpush v5, $0xF;
	_ =	sdelay $0x9  }
0x55: {  	s30 =	sand.u32 $0xF, s13  }
0x56: {  	p0 =	sne.s32 s30, $0xF  }
0x57: {  	s17 =	sand.u32 @!p0 $0x7F0, s13;
	s13 =	sadd.s32 $0x1, s13  }
0x58: {  	p1 =	sne.s32 s13, $0x800  }
.Ltmp3:
0x59: {  	_ = 	snop;
	(pc) =	sbr.rel @p1 .LBB2_5-.Ltmp3, $4  }
0x5a: {  	v5 =	vmov s30;
	s31 =	spop (v2sf)  }
0x5b: {  	vm15 =	veq.s32 v5, v1;
	s14 =	sxor.u32 $0x80000000, s31  }
0x5c: {  	[tilespmem:s29+$0x0] =	vst v4;
	v3 =	vsel vm15, s14, v3  }
0x5d: {  	[tilespmem:s17+$0x10000] =	vst @!p0 v3  }
0x5e: {  	s12 =	sadd.s32 $0x1, s12  }
0x5f: {  	p0 =	sne.s32 s12, s7  }
.Ltmp4:
0x60: {  	_ = 	snop;
	(pc) =	sbr.rel @p0 .LBB2_2-.Ltmp4, $4  }
0x61: {  	[hbm4b:s5+s2] =	stream.linear.scatter [tilespmem:s11], [sflag:$0x1], $0x800, $0x38;
	[tilespmem:$0x10800] =	vst v63  }
0x62: {  	_ =	swait.ge [sflag:s8], $0x800  }
0x63: {  	[sflag:s8] =	ssyncset.done $0x0  }
0x64: {  	[sflag:s8] =	ssyncadd.s32 $0xFFFFF800  }
.LBB2_9:
0x65: {  	_ =	sfence.sel $0x180000  }
0x66: {  	[bflag:$0x0] =	sbarrier.arrive $0xFFFF  }
0x67: {  	p0 =	sne.s32 s1, $0x0;
	_ =	strace $0x90000047  }
0x68: {  	s0 =	sadd.s32 @!p0 $0x100000, s0;
	[bflag:$0x2] =	sbarrier.arrive $0xFFFF  }
0x69: {  	[sflag:s0] =	ssyncadd.tile.s32 @!p0 $0x1;
	_ =	shalt  }
.Lfunc_end2:
_tile_overlayer_lowered:
.L_overlay_start_2:
0x6a: {  	(tag) =	ssettag $0x2  }
0x6b: {  	s0 =	rddreg [dreg:$0x0];
	s2 =	stileid.u32  }
0x6c: {  	s1 =	rddreg [dreg:$0x1];
	p0 =	sne.s32 s2, $0x0  }
0x6d: {  	s3 =	rddreg [dreg:$0x2];
	[bflag:$0x3] =	sbarrier.arrive $0xFFFF;
	s2 =	simm.s32 @!p0 $0x1C01  }
0x6e: {  	[timem:s3], [sflag:s2] =	dma.local @!p0 [hbm:s0], s1  }
0x6f: {  	s0 =	simm.s32 @!p0 $0x1  }
0x70: {  	_ =	swait.ge @!p0 [sflag:s0], s1  }
0x71: {  	s1 =	ssub.s32 @!p0 $0x0, s1;
	[sflag:s0] =	ssyncset.done @!p0 $0x0  }
0x72: {  	[sflag:s0] =	ssyncadd.s32 @!p0 s1  }
0x73: {  	[bflag:$0x3] =	sbarrier.arrive $0xFFFF  }
0x74: {  	_ =	shalt  }

</sc_bundles>
